<compile_context>
chip_gen: v7x
topology: tpu7x:2x2x1
jax: 0.10.2.dev20260603
libtpu: 0.0.44.dev20260713+nightly
codegen_flags: <defaults>
</compile_context>

<pallas_src>
import functools

import jax
import jax.numpy as jnp
from jax import lax
from jax.experimental import pallas as pl
from jax.experimental.pallas import tpu as pltpu
from jax.experimental.pallas import tpu_sc as plsc

_F0_MIN = 50.0
_F0_MAX = 800.0
_NUM_BINS = 256
_EMBED_DIM = 512

_NC = 2
_NS = 16
_NW = _NC * _NS

_CHUNK = 64
_SC_FRAC_NUM = 1
_SC_FRAC_DEN = 4
_BLK = 2048


def _index_body(f0_ref, idx_ref):
    log_min = jnp.log(jnp.float32(_F0_MIN))
    log_max = jnp.log(jnp.float32(_F0_MAX))
    log_range = log_max - log_min
    f0 = jnp.clip(f0_ref[...], _F0_MIN, _F0_MAX)
    f0_norm = (jnp.log(f0) - log_min) / log_range
    idx = jnp.clip(jnp.round(f0_norm * (_NUM_BINS - 1)), 0, _NUM_BINS - 1)
    idx_ref[...] = idx.astype(jnp.int32)


def _compute_indices(f0_seq):
    return pl.pallas_call(
        _index_body,
        out_shape=jax.ShapeDtypeStruct(f0_seq.shape, jnp.int32),
    )(f0_seq)


def _make_sc_gather(n_tokens, n_sc, d):
    tok_per_w = n_sc // _NW
    n_chunks = tok_per_w // _CHUNK
    mesh = plsc.VectorSubcoreMesh(core_axis_name="c", subcore_axis_name="s")

    @functools.partial(
        pl.kernel,
        mesh=mesh,
        out_type=jax.ShapeDtypeStruct((n_tokens, d), jnp.float32),
        scratch_types=[
            pltpu.VMEM((tok_per_w,), jnp.int32),
            pltpu.VMEM((_CHUNK, d), jnp.float32),
            pltpu.SemaphoreType.DMA,
        ],
    )
    def gather(table_hbm, idx_hbm, out_hbm, idx_v, rows_v, sem):
        wid = lax.axis_index("s") * _NC + lax.axis_index("c")
        base = wid * tok_per_w
        pltpu.sync_copy(idx_hbm.at[pl.ds(base, tok_per_w)], idx_v)

        def body(k, carry):
            tok = pl.multiple_of(k * _CHUNK, _CHUNK)
            pltpu.async_copy(
                table_hbm.at[idx_v.at[pl.ds(tok, _CHUNK)]], rows_v, sem
            ).wait()
            pltpu.sync_copy(rows_v, out_hbm.at[pl.ds(base + tok, _CHUNK)])
            return carry

        lax.fori_loop(0, n_chunks, body, 0)

    return gather


def _onehot_body(f0_ref, table_ref, _, out_ref):
    log_min = jnp.log(jnp.float32(_F0_MIN))
    log_max = jnp.log(jnp.float32(_F0_MAX))
    log_range = log_max - log_min
    f0 = jnp.clip(f0_ref[...], _F0_MIN, _F0_MAX)
    f0_norm = (jnp.log(f0) - log_min) / log_range
    idx = jnp.clip(jnp.round(f0_norm * (_NUM_BINS - 1)), 0, _NUM_BINS - 1)
    idx = idx.astype(jnp.int32).reshape(_BLK, 1)
    bins = lax.broadcasted_iota(jnp.int32, (_BLK, _NUM_BINS), 1)
    onehot = jnp.where(bins == idx, 1.0, 0.0).astype(jnp.float32)
    out_ref[...] = jnp.dot(
        onehot, table_ref[...], preferred_element_type=jnp.float32
    )


def _tc_fill(f0_rest, embedding, partial_out, n_sc):
    n_tokens, d = partial_out.shape
    n_tc = n_tokens - n_sc
    grid = n_tc // _BLK
    blk0 = n_sc // _BLK
    return pl.pallas_call(
        _onehot_body,
        grid=(grid,),
        in_specs=[
            pl.BlockSpec((_BLK,), lambda i: (i,)),
            pl.BlockSpec((_NUM_BINS, d), lambda i: (0, 0)),
            pl.BlockSpec(memory_space=pl.ANY),
        ],
        out_specs=pl.BlockSpec((_BLK, d), lambda i: (i + blk0, 0)),
        out_shape=jax.ShapeDtypeStruct((n_tokens, d), jnp.float32),
        input_output_aliases={2: 0},
    )(f0_rest, embedding, partial_out)


def kernel(f0_seq, embedding):
    b, s = f0_seq.shape
    n_tokens = b * s
    d = embedding.shape[1]
    n_sc = n_tokens * _SC_FRAC_NUM // _SC_FRAC_DEN
    f0_flat = f0_seq.reshape(n_tokens)
    b_sc = b * _SC_FRAC_NUM // _SC_FRAC_DEN
    idx = _compute_indices(f0_seq[:b_sc]).reshape(n_sc)
    sc_out = _make_sc_gather(n_tokens, n_sc, d)(embedding, idx)
    out_flat = _tc_fill(f0_flat[n_sc:], embedding, sc_out, n_sc)
    return out_flat.reshape(b, s, d)

# --- scband reference (transcript-rebuilt; emitter-appended) ---
"""Pipeline reference for scband-pitch-embedding-82076825026716 (READ-ONLY COPY).

The authoritative reference and input builder live on the scoring server;
editing this copy changes nothing except your own understanding.
"""

import jax, jax.numpy as jnp
import numpy as np

F0_MIN = 50.0
F0_MAX = 800.0
NUM_BINS = 256
EMBED_DIM = 512
BATCH = 1024
SEQ = 200


def setup_inputs(seed: int = 0) -> dict:
    key = jax.random.key(seed)
    k1, k2 = jax.random.split(key)
    # f0 values uniformly spanning the pitch range so bins are exercised
    f0_seq = jax.random.uniform(k1, (BATCH, SEQ), dtype=jnp.float32, minval=F0_MIN, maxval=F0_MAX)
    # learned embedding table, sized per init_kwargs
    embedding = jax.random.normal(k2, (NUM_BINS, EMBED_DIM), dtype=jnp.float32) * 0.02
    return {"f0_seq": f0_seq, "embedding": embedding}


def reference(f0_seq, embedding):
    log_min = jnp.log(jnp.asarray(F0_MIN, dtype=f0_seq.dtype))
    log_max = jnp.log(jnp.asarray(F0_MAX, dtype=f0_seq.dtype))
    log_range = log_max - log_min
    f0 = jnp.clip(f0_seq, F0_MIN, F0_MAX)
    f0_norm = (jnp.log(f0) - log_min) / log_range
    idx = jnp.clip(jnp.round(f0_norm * (NUM_BINS - 1)), 0, NUM_BINS - 1).astype(jnp.int32)
    return jnp.take(embedding, idx, axis=0)

if __name__ == "__main__":
    import jax
    _d = setup_inputs()
    print(jax.jit(kernel)(*tuple(_d.values())))

</pallas_src>

<mosaic_0001>
#map = affine_map<(d0, d1) -> (0, 0)>
#map1 = affine_map<(d0, d1) -> (0)>
module attributes {stable_mosaic.version = 14 : i64} {
  func.func @gather(%arg0: i32, %arg1: i32, %arg2: memref<256x512xf32, #tpu.memory_space<hbm>>, %arg3: memref<51200xi32, #tpu.memory_space<hbm>>, %arg4: memref<204800x512xf32, #tpu.memory_space<hbm>>, %arg5: memref<1600xi32, #tpu.memory_space<vmem>>, %arg6: memref<64x512xf32, #tpu.memory_space<vmem>>, %arg7: memref<!tpu.dma_semaphore, #tpu.memory_space<semaphore_mem>>) attributes {dimension_semantics = [#tpu.dimension_semantics<core_parallel>, #tpu.dimension_semantics<subcore_parallel>], iteration_bounds = array<i64: 2, 16>, scalar_prefetch = 0 : i64, scratch_operands = 3 : i64, tpu.core_type = #tpu.core_type<sc_vector_subcore>, window_params = [{transform_indices = #map}, {transform_indices = #map1}, {transform_indices = #map}]} {
    %mul3A = arith.constant 2 : i32
    %mul3A_0 = arith.muli %arg1, %mul3A : i32
    %add3A = arith.addi %mul3A_0, %arg0 : i32
    %mul3A_1 = arith.constant 1600 : i32
    %mul3A_2 = arith.muli %add3A, %mul3A_1 : i32
    "tpu.region"() ({
      %run_scoped3A = tpu.sem_alloc : memref<!tpu.dma_semaphore, #tpu.memory_space<semaphore_mem>>
      %dma_start3A = tpu.memref_slice %arg3[%mul3A_2] : memref<51200xi32, #tpu.memory_space<hbm>> -> memref<1600xi32, #tpu.memory_space<hbm>>
      %dma_start3A_8 = tpu.memref_slice %arg3[%mul3A_2] : memref<51200xi32, #tpu.memory_space<hbm>> -> memref<1600xi32, #tpu.memory_space<hbm>>
      tpu.enqueue_dma source(%dma_start3A_8 : memref<1600xi32, #tpu.memory_space<hbm>>) target(%arg5 : memref<1600xi32, #tpu.memory_space<vmem>>) target_semaphore(%run_scoped3A : memref<!tpu.dma_semaphore, #tpu.memory_space<semaphore_mem>>)
      %dma_wait3A = tpu.memref_slice %arg3[%mul3A_2] : memref<51200xi32, #tpu.memory_space<hbm>> -> memref<1600xi32, #tpu.memory_space<hbm>>
      %dma_wait3A_9 = tpu.memref_slice %arg3[%mul3A_2] : memref<51200xi32, #tpu.memory_space<hbm>> -> memref<1600xi32, #tpu.memory_space<hbm>>
      tpu.wait_dma2 semaphore(%run_scoped3A : memref<!tpu.dma_semaphore, #tpu.memory_space<semaphore_mem>>) src(%dma_wait3A_9 : memref<1600xi32, #tpu.memory_space<hbm>>) dst(%arg5 : memref<1600xi32, #tpu.memory_space<vmem>>)
      tpu.yield
    }) : () -> ()
    %scan3A = arith.constant 0 : i32
    %scan3A_3 = arith.constant 0 : i32
    %scan3A_4 = arith.constant 25 : i32
    %scan3A_5 = arith.addi %scan3A_3, %scan3A_4 : i32
    %scan3A_6 = arith.constant 1 : i32
    scf.for %scan3A_8 = %scan3A_3 to %scan3A_5 step %scan3A_6  : i32 {
      %mul3A_9 = arith.constant 64 : i32
      %mul3A_10 = arith.muli %scan3A_8, %mul3A_9 : i32
      %multiple_of3A = tpu.assume_multiple %mul3A_10, 64 : i32
      %dma_start3A = tpu.memref_slice %arg5[%multiple_of3A] : memref<1600xi32, #tpu.memory_space<vmem>> -> memref<64xi32, #tpu.memory_space<vmem>>
      %dma_start3A_11 = arith.constant 0 : i32
      %dma_start3A_12 = arith.constant 0 : i32
      %dma_start3A_13 = tpu.memref_slice %arg2[%dma_start3A_11, %dma_start3A_12] : memref<256x512xf32, #tpu.memory_space<hbm>> -> memref<256x512xf32, #tpu.memory_space<hbm>>
      tpu.enqueue_indirect_dma source(%dma_start3A_13 : memref<256x512xf32, #tpu.memory_space<hbm>>) target(%arg6 : memref<64x512xf32, #tpu.memory_space<vmem>>) offsets(%dma_start3A : memref<64xi32, #tpu.memory_space<vmem>>) semaphore(%arg7 : memref<!tpu.dma_semaphore, #tpu.memory_space<semaphore_mem>>)
      %dma_wait3A = tpu.memref_slice %arg5[%multiple_of3A] : memref<1600xi32, #tpu.memory_space<vmem>> -> memref<64xi32, #tpu.memory_space<vmem>>
      %dma_wait3A_14 = arith.constant 0 : i32
      %dma_wait3A_15 = arith.constant 0 : i32
      %dma_wait3A_16 = tpu.memref_slice %arg2[%dma_wait3A_14, %dma_wait3A_15] : memref<256x512xf32, #tpu.memory_space<hbm>> -> memref<256x512xf32, #tpu.memory_space<hbm>>
      tpu.wait_indirect_dma semaphore(%arg7 : memref<!tpu.dma_semaphore, #tpu.memory_space<semaphore_mem>>) src(%dma_wait3A_16 : memref<256x512xf32, #tpu.memory_space<hbm>>) dst(%arg6 : memref<64x512xf32, #tpu.memory_space<vmem>>)
      %add3A_17 = arith.addi %mul3A_2, %multiple_of3A : i32
      "tpu.region"() ({
        %run_scoped3A = tpu.sem_alloc : memref<!tpu.dma_semaphore, #tpu.memory_space<semaphore_mem>>
        %dma_start3A_18 = arith.constant 0 : i32
        %dma_start3A_19 = tpu.memref_slice %arg4[%add3A_17, %dma_start3A_18] : memref<204800x512xf32, #tpu.memory_space<hbm>> -> memref<64x512xf32, #tpu.memory_space<hbm>>
        %dma_start3A_20 = arith.constant 0 : i32
        %dma_start3A_21 = tpu.memref_slice %arg4[%add3A_17, %dma_start3A_20] : memref<204800x512xf32, #tpu.memory_space<hbm>> -> memref<64x512xf32, #tpu.memory_space<hbm>>
        tpu.enqueue_dma source(%arg6 : memref<64x512xf32, #tpu.memory_space<vmem>>) target(%dma_start3A_21 : memref<64x512xf32, #tpu.memory_space<hbm>>) target_semaphore(%run_scoped3A : memref<!tpu.dma_semaphore, #tpu.memory_space<semaphore_mem>>)
        %dma_wait3A_22 = arith.constant 0 : i32
        %dma_wait3A_23 = tpu.memref_slice %arg4[%add3A_17, %dma_wait3A_22] : memref<204800x512xf32, #tpu.memory_space<hbm>> -> memref<64x512xf32, #tpu.memory_space<hbm>>
        %dma_wait3A_24 = arith.constant 0 : i32
        %dma_wait3A_25 = tpu.memref_slice %arg4[%add3A_17, %dma_wait3A_24] : memref<204800x512xf32, #tpu.memory_space<hbm>> -> memref<64x512xf32, #tpu.memory_space<hbm>>
        tpu.wait_dma2 semaphore(%run_scoped3A : memref<!tpu.dma_semaphore, #tpu.memory_space<semaphore_mem>>) src(%arg6 : memref<64x512xf32, #tpu.memory_space<vmem>>) dst(%dma_wait3A_25 : memref<64x512xf32, #tpu.memory_space<hbm>>)
        tpu.yield
      }) : () -> ()
    }
    %scan3A_7 = arith.constant 25 : i32
    return
  }
}

module attributes {stable_mosaic.version = 14 : i64} {
  func.func @_index_body(%arg0: memref<256x200xf32, #tpu.memory_space<vmem>>, %arg1: memref<256x200xi32, #tpu.memory_space<vmem>>) attributes {dimension_semantics = [], scalar_prefetch = 0 : i64, scratch_operands = 0 : i64, tpu.core_type = #tpu.core_type<tc>} {
    %log3A = arith.constant 5.000000e+01 : f32
    %log3A_0 = math.log %log3A : f32
    %log3A_1 = arith.constant 8.000000e+02 : f32
    %log3A_2 = math.log %log3A_1 : f32
    %sub3A = arith.subf %log3A_2, %log3A_0 : f32
    %get3A = arith.constant 0 : index
    %get3A_3 = arith.constant 0 : index
    %get3A_4 = vector.load %arg0[%get3A, %get3A_3] : memref<256x200xf32, #tpu.memory_space<vmem>>, vector<256x200xf32>
    %jit3A = arith.constant 5.000000e+01 : f32
    %jit3A_5 = arith.constant 8.000000e+02 : f32
    %max3A = vector.broadcast %jit3A : f32 to vector<256x200xf32>
    %max3A_6 = arith.maximumf %max3A, %get3A_4 : vector<256x200xf32>
    %min3A = vector.broadcast %jit3A_5 : f32 to vector<256x200xf32>
    %min3A_7 = arith.minimumf %min3A, %max3A_6 : vector<256x200xf32>
    %log3A_8 = math.log %min3A_7 : vector<256x200xf32>
    %sub3A_9 = vector.broadcast %log3A_0 : f32 to vector<256x200xf32>
    %sub3A_10 = arith.subf %log3A_8, %sub3A_9 : vector<256x200xf32>
    %div3A = vector.broadcast %sub3A : f32 to vector<256x200xf32>
    %div3A_11 = arith.divf %sub3A_10, %div3A : vector<256x200xf32>
    %mul3A = arith.constant 2.550000e+02 : f32
    %mul3A_12 = vector.broadcast %mul3A : f32 to vector<256x200xf32>
    %mul3A_13 = arith.mulf %div3A_11, %mul3A_12 : vector<256x200xf32>
    %round3A = math.roundeven %mul3A_13 : vector<256x200xf32>
    %jit3A_14 = arith.constant 0 : i32
    %jit3A_15 = arith.constant 255 : i32
    %convert_element_type3A = arith.sitofp %jit3A_14 : i32 to f32
    %max3A_16 = vector.broadcast %convert_element_type3A : f32 to vector<256x200xf32>
    %max3A_17 = arith.maximumf %max3A_16, %round3A : vector<256x200xf32>
    %convert_element_type3A_18 = arith.sitofp %jit3A_15 : i32 to f32
    %min3A_19 = vector.broadcast %convert_element_type3A_18 : f32 to vector<256x200xf32>
    %min3A_20 = arith.minimumf %min3A_19, %max3A_17 : vector<256x200xf32>
    %convert_element_type3A_21 = arith.fptosi %min3A_20 : vector<256x200xf32> to vector<256x200xi32>
    %swap3A = arith.constant 0 : index
    %swap3A_22 = arith.constant 0 : index
    %swap3A_23 = vector.load %arg1[%swap3A, %swap3A_22] : memref<256x200xi32, #tpu.memory_space<vmem>>, vector<256x200xi32>
    tpu.vector_store %arg1[%swap3A, %swap3A_22], %convert_element_type3A_21 {strides = array<i32>} : memref<256x200xi32, #tpu.memory_space<vmem>>, vector<256x200xi32>,
    return
  }
}

module attributes {stable_mosaic.version = 14 : i64} {
  func.func @_onehot_body(%arg0: i32, %arg1: memref<2048xf32, #tpu.memory_space<vmem>>, %arg2: memref<256x512xf32, #tpu.memory_space<vmem>>, %arg3: memref<204800x512xf32, #tpu.memory_space<any>>, %arg4: memref<2048x512xf32, #tpu.memory_space<vmem>>) attributes {dimension_semantics = [#tpu.dimension_semantics<arbitrary>], iteration_bounds = array<i64: 75>, scalar_prefetch = 0 : i64, scratch_operands = 0 : i64, tpu.core_type = #tpu.core_type<tc>, window_params = [{transform_indices = @transform_0, window_bounds = array<i64: 2048>}, {pipeline_mode = #tpu.pipeline_mode<synchronous>, transform_indices = @transform_1, window_bounds = array<i64: 256, 512>}, {}, {transform_indices = @transform_3, window_bounds = array<i64: 2048, 512>}]} {
    %log3A = arith.constant 5.000000e+01 : f32
    %log3A_0 = math.log %log3A : f32
    %log3A_1 = arith.constant 8.000000e+02 : f32
    %log3A_2 = math.log %log3A_1 : f32
    %sub3A = arith.subf %log3A_2, %log3A_0 : f32
    %get3A = arith.constant 0 : index
    %get3A_3 = vector.load %arg1[%get3A] : memref<2048xf32, #tpu.memory_space<vmem>>, vector<2048xf32>
    %jit3A = arith.constant 5.000000e+01 : f32
    %jit3A_4 = arith.constant 8.000000e+02 : f32
    %max3A = vector.broadcast %jit3A : f32 to vector<2048xf32>
    %max3A_5 = arith.maximumf %max3A, %get3A_3 : vector<2048xf32>
    %min3A = vector.broadcast %jit3A_4 : f32 to vector<2048xf32>
    %min3A_6 = arith.minimumf %min3A, %max3A_5 : vector<2048xf32>
    %log3A_7 = math.log %min3A_6 : vector<2048xf32>
    %sub3A_8 = vector.broadcast %log3A_0 : f32 to vector<2048xf32>
    %sub3A_9 = arith.subf %log3A_7, %sub3A_8 : vector<2048xf32>
    %div3A = vector.broadcast %sub3A : f32 to vector<2048xf32>
    %div3A_10 = arith.divf %sub3A_9, %div3A : vector<2048xf32>
    %mul3A = arith.constant 2.550000e+02 : f32
    %mul3A_11 = vector.broadcast %mul3A : f32 to vector<2048xf32>
    %mul3A_12 = arith.mulf %div3A_10, %mul3A_11 : vector<2048xf32>
    %round3A = math.roundeven %mul3A_12 : vector<2048xf32>
    %jit3A_13 = arith.constant 0 : i32
    %jit3A_14 = arith.constant 255 : i32
    %convert_element_type3A = arith.sitofp %jit3A_13 : i32 to f32
    %max3A_15 = vector.broadcast %convert_element_type3A : f32 to vector<2048xf32>
    %max3A_16 = arith.maximumf %max3A_15, %round3A : vector<2048xf32>
    %convert_element_type3A_17 = arith.sitofp %jit3A_14 : i32 to f32
    %min3A_18 = vector.broadcast %convert_element_type3A_17 : f32 to vector<2048xf32>
    %min3A_19 = arith.minimumf %min3A_18, %max3A_16 : vector<2048xf32>
    %convert_element_type3A_20 = arith.fptosi %min3A_19 : vector<2048xf32> to vector<2048xi32>
    %reshape3A = vector.shape_cast %convert_element_type3A_20 : vector<2048xi32> to vector<2048x1xi32>
    %iota3A = tpu.iota {dimensions = array<i32: 1>} : vector<2048x256xi32>
    %eq3A = vector.broadcast %reshape3A : vector<2048x1xi32> to vector<2048x256xi32>
    %eq3A_21 = arith.cmpi eq, %iota3A, %eq3A : vector<2048x256xi32>
    %jit3A_22 = arith.constant 1.000000e+00 : f32
    %jit3A_23 = arith.constant 0.000000e+00 : f32
    %broadcast_in_dim3A = vector.broadcast %jit3A_22 : f32 to vector<2048x256xf32>
    %broadcast_in_dim3A_24 = vector.broadcast %jit3A_23 : f32 to vector<2048x256xf32>
    %select_n3A = arith.select %eq3A_21, %broadcast_in_dim3A, %broadcast_in_dim3A_24 : vector<2048x256xi1>, vector<2048x256xf32>
    %get3A_25 = arith.constant 0 : index
    %get3A_26 = arith.constant 0 : index
    %get3A_27 = vector.load %arg2[%get3A_25, %get3A_26] : memref<256x512xf32, #tpu.memory_space<vmem>>, vector<256x512xf32>
    %dot_general3A = arith.constant dense<0.000000e+00> : vector<2048x512xf32>
    %dot_general3A_28 = tpu.matmul %select_n3A, %get3A_27, %dot_general3A {dimension_numbers = #tpu.dot_dimension_numbers<[1], [0], [0], [1], [0, 0, 1, 1], [], []>, transpose_lhs_hint = false} : vector<2048x256xf32>, vector<256x512xf32>, vector<2048x512xf32> -> vector<2048x512xf32>
    %swap3A = arith.constant 0 : index
    %swap3A_29 = arith.constant 0 : index
    %swap3A_30 = vector.load %arg4[%swap3A, %swap3A_29] : memref<2048x512xf32, #tpu.memory_space<vmem>>, vector<2048x512xf32>
    tpu.vector_store %arg4[%swap3A, %swap3A_29], %dot_general3A_28 {strides = array<i32>} : memref<2048x512xf32, #tpu.memory_space<vmem>>, vector<2048x512xf32>,
    return
  }
  func.func @transform_0(%arg0: i32) -> i32 {
    %c0_i32 = arith.constant 0 : i32
    return %arg0 : i32
  }
  func.func @transform_1(%arg0: i32) -> (i32, i32) {
    %c0_i32 = arith.constant 0 : i32
    %c0_i32_0 = arith.constant 0 : i32
    %c0_i32_1 = arith.constant 0 : i32
    return %c0_i32, %c0_i32_0 : i32, i32
  }
  func.func @transform_3(%arg0: i32) -> (i32, i32) {
    %add3A = arith.constant 25 : i32
    %add3A_0 = arith.addi %arg0, %add3A : i32
    %c0_i32 = arith.constant 0 : i32
    %c0_i32_1 = arith.constant 0 : i32
    return %add3A_0, %c0_i32 : i32, i32
  }
}

</mosaic_0001>

<sc_bundles>
// kernel: kernel.5.cloned.1.call-start
scs
__scs_entry_jumppad:
0x0: {  	(pc) =	sbr.rel $0x88, $3  }
0x1: {  	(tag) =	ssettag $0x0;
	lr =	simm.s32 $0x1  }
0x2: {  	[smem:$0x3F9F] =	sst lr;
	_ =	strace $0xD0000000  }
0x3: {  	_ = 	snop  }
0x4: {  	_ = 	snop  }
0x5: {  	_ = 	snop  }
0x6: {  	_ = 	snop  }
0x7: {  	_ = 	snop  }
__scs_overlays_trampoline_lowered:
0x8: {  	[smem:$0x3FAE] =	sst s0  }
0x9: {  	[smem:$0x3FAF] =	sst s1  }
0xa: {  	[smem:$0x3FB0] =	sst s2  }
0xb: {  	[smem:$0x3FB1] =	sst s3  }
0xc: {  	[smem:$0x3FB2] =	sst s4  }
0xd: {  	[smem:$0x3FB3] =	sst s5  }
0xe: {  	[smem:$0x3FB4] =	sst s6  }
0xf: {  	[smem:$0x3FB5] =	sst s7  }
0x10: {  	[smem:$0x3FB6] =	sst s8  }
0x11: {  	[smem:$0x3FB7] =	sst s9;
	s0 =	simm.s32 @!p0 $0x0  }
0x12: {  	s1 =	sld [smem:$0x3F9D];
	s0 =	simm.s32 @p0 $0x1  }
0x13: {  	[smem:$0x3FB8] =	sst s0;
	s0 =	simm.s32 @!p1 $0x0  }
0x14: {  	s2 =	sld [smem:$0x3F9C];
	s0 =	simm.s32 @p1 $0x1  }
0x15: {  	[smem:$0x3FB9] =	sst s0;
	s0 =	simm.s32 @!p2 $0x0  }
0x16: {  	s3 =	sld [smem:$0x3FDB];
	s0 =	simm.s32 @p2 $0x1  }
0x17: {  	s4 =	simm.s32 $0x1BF5;
	[smem:$0x3FBB] =	sst s0  }
0x18: {  	s0 =	sld [smem:$0x3F9E];
	_ =	swait.ge [sflag:s4], $0x0  }
0x19: {  	s7 =	sld [smem:$0x3F9F]  }
0x1a: {  	s8 =	sadd.s32 $0xFFFFE003, lr  }
0x1b: {  	s9 =	sadd.s32 $0xFFFFFEF7, lr;
	s5 =	simm.s32 $0xFFFFFFFF;
	p2 =	slt.u32 s8, $0xFFFFF086  }
0x1c: {  	p1 =	slt.u32 s9, $0xF7A;
	s5 =	simm.s32 @!p2 $0x0  }
0x1d: {  	s5 =	simm.s32 @p1 $0x1;
	p0 =	seq.s32 s7, s2  }
0x1e: {  	s7 =	smul.u32 @!p0 $0xF7A, s2;
	p2 =	seq.s32 @!p0 s5, $0x0  }
0x1f: {  	s9 =	smul.u32 $0xF7A, s1;
	s8 =	simm.s32 @!p0 $0x1BF5;
	p2 =	por !p2, p0  }
0x20: {  	[sflag:s8] =	ssyncset.s32 @!p0 $0xFFFFF086;
	s6 =	sadd.s32 @!p0 s3, s7;
	s7 =	simm.s32 @!p0 $0x108  }
0x21: {  	s3 =	sadd.s32 s3, s9;
	s6 =	sadd.s32 @!p0 $0x88, s6;
	s7 =	simm.s32 @p2 $0x1082  }
0x22: {  	[simem:s7], [sflag:s8] =	dma.local @!p0 [hbm:s6], $0xF7A  }
0x23: {  	s9 =	sor.u32 $0xD0000000, s2;
	s6 =	simm.s32 $0x108;
	_ =	swait.ge @!p0 [sflag:s8], $0x0  }
0x24: {  	s3 =	sadd.s32 $0x88, s3;
	s6 =	simm.s32 @!p1 $0x1082;
	[sflag:s4] =	ssyncset.s32 $0xFFFFF086  }
0x25: {  	[simem:s6], [sflag:s4] =	dma.local [hbm:s3], $0xF7A  }
0x26: {  	[smem:$0x3F9F] =	sst s1;
	(tag) =	ssettag s2;
	_ =	strace s9  }
0x27: {  	s1 =	sld [smem:$0x3FAF]  }
0x28: {  	s2 =	sld [smem:$0x3FB0]  }
0x29: {  	s4 =	sld [smem:$0x3FB2]  }
0x2a: {  	p0 =	seq.s32 s5, $0x0;
	s5 =	sld [smem:$0x3FB3]  }
0x2b: {  	s6 =	sld [smem:$0x3FB4]  }
0x2c: {  	s7 =	sld [smem:$0x3FB5]  }
0x2d: {  	s3 =	simm.s32 $0x108;
	s8 =	sld [smem:$0x3FB6]  }
0x2e: {  	s3 =	simm.s32 @!p0 $0x1082;
	s9 =	sld [smem:$0x3FB7]  }
0x2f: {  	lr =	sadd.s32 s0, s3;
	s0 =	sld [smem:$0x3FAE]  }
0x30: {  	s3 =	sld [smem:$0x3FB1]  }
0x31: {  	[smem:$0x3FBA] =	sst s10  }
0x32: {  	s10 =	sld [smem:$0x3FB8];
	_ =	sdelay $0x3  }
0x33: {  	p0 =	seq.s32 s10, $0x1;
	s10 =	sld [smem:$0x3FBA];
	_ =	sdelay $0x3  }
0x34: {  	[smem:$0x3FBA] =	sst s10  }
0x35: {  	s10 =	sld [smem:$0x3FB9];
	_ =	sdelay $0x3  }
0x36: {  	p1 =	seq.s32 s10, $0x1;
	s10 =	sld [smem:$0x3FBA];
	_ =	sdelay $0x3  }
0x37: {  	[smem:$0x3FBA] =	sst s10  }
0x38: {  	s10 =	sld [smem:$0x3FBB]  }
0x39: {  	_ = 	snop;
	(pc) =	sbr.ind lr, $3  }
0x3a: {  	_ = 	snop  }
0x3b: {  	_ = 	snop  }
0x3c: {  	p2 =	seq.s32 s10, $0x1;
	s10 =	sld [smem:$0x3FBA]  }
0x3d: {  	_ =	shalt  }
0x3e: {  	_ =	shalt  }
0x3f: {  	_ =	shalt  }
0x40: {  	_ =	shalt  }
0x41: {  	_ =	shalt  }
0x42: {  	_ =	shalt  }
0x43: {  	_ =	shalt  }
0x44: {  	_ =	shalt  }
0x45: {  	_ =	shalt  }
0x46: {  	_ =	shalt  }
0x47: {  	_ =	shalt  }
0x48: {  	_ =	shalt  }
0x49: {  	_ =	shalt  }
0x4a: {  	_ =	shalt  }
0x4b: {  	_ =	shalt  }
0x4c: {  	_ =	shalt  }
0x4d: {  	_ =	shalt  }
0x4e: {  	_ =	shalt  }
0x4f: {  	_ =	shalt  }
0x50: {  	_ =	shalt  }
0x51: {  	_ =	shalt  }
0x52: {  	_ =	shalt  }
0x53: {  	_ =	shalt  }
0x54: {  	_ =	shalt  }
0x55: {  	_ =	shalt  }
0x56: {  	_ =	shalt  }
0x57: {  	_ =	shalt  }
0x58: {  	_ =	shalt  }
0x59: {  	_ =	shalt  }
0x5a: {  	_ =	shalt  }
0x5b: {  	_ =	shalt  }
0x5c: {  	_ =	shalt  }
0x5d: {  	_ =	shalt  }
0x5e: {  	_ =	shalt  }
0x5f: {  	_ =	shalt  }
0x60: {  	_ =	shalt  }
0x61: {  	_ =	shalt  }
0x62: {  	_ =	shalt  }
0x63: {  	_ =	shalt  }
0x64: {  	_ =	shalt  }
0x65: {  	_ =	shalt  }
0x66: {  	_ =	shalt  }
0x67: {  	_ =	shalt  }
0x68: {  	_ =	shalt  }
0x69: {  	_ =	shalt  }
0x6a: {  	_ =	shalt  }
0x6b: {  	_ =	shalt  }
0x6c: {  	_ =	shalt  }
0x6d: {  	_ =	shalt  }
0x6e: {  	_ =	shalt  }
0x6f: {  	_ =	shalt  }
0x70: {  	_ =	shalt  }
0x71: {  	_ =	shalt  }
0x72: {  	_ =	shalt  }
0x73: {  	_ =	shalt  }
0x74: {  	_ =	shalt  }
0x75: {  	_ =	shalt  }
0x76: {  	_ =	shalt  }
0x77: {  	_ =	shalt  }
0x78: {  	_ =	shalt  }
0x79: {  	_ =	shalt  }
0x7a: {  	_ =	shalt  }
0x7b: {  	_ =	shalt  }
0x7c: {  	_ =	shalt  }
0x7d: {  	_ =	shalt  }
0x7e: {  	_ =	shalt  }
0x7f: {  	_ =	shalt  }
0x80: {  	_ =	shalt  }
0x81: {  	_ =	shalt  }
0x82: {  	_ =	shalt  }
0x83: {  	_ =	shalt  }
0x84: {  	_ =	shalt  }
0x85: {  	_ =	shalt  }
0x86: {  	_ =	shalt  }
0x87: {  	_ =	shalt  }
.Lfunc_end0:
.L_simem_size_0:
called_computation_lowered:
.L_overlay_start_0:
0x88: {  	s2 =	sld [smem:$0x3FD9]  }
0x89: {  	s3 =	sld [smem:$0x3FFE];
	_ =	sdelay $0x1  }
0x8a: {  	s1 =	srdreg.scid  }
0x8b: {  	s0 =	sand.u32 $0x1, s1  }
0x8c: {  	s17 =	sshll.u32 s0, $0xA;
	s2 =	sadd.s32 s3, s2  }
0x8d: {  	s2 =	sadd.s32 s2, s17  }
0x8e: {  	[smem:$0x3FC6] =	sst s2  }
0x8f: {  	_ = 	snop  }
0x90: {  	s2 =	sld [smem:$0x3FC8]  }
0x91: {  	s18 =	sld [smem:$0x3FD0];
	(tm) =	ssettm $0x1  }
0x92: {  	s4 =	sld [smem:$0x3FFB];
	_ =	sdelay $0x3  }
0x93: {  	_ =	strace s4  }
0x94: {  	s4 =	sld [smem:$0x3FFC];
	_ =	sdelay $0x3  }
0x95: {  	_ =	strace s4  }
0x96: {  	s4 =	sld [smem:$0x3FFD];
	_ =	sdelay $0x3  }
0x97: {  	_ =	strace s4  }
0x98: {  	_ =	strace $0x8FFFFFFF  }
0x99: {  	s19 =	sld [smem:$0x3FDB];
	_ =	sdelay $0x1  }
0x9a: {  	s5 =	simm.s32 $_scs_section_size  }
0x9b: {  	s6 =	simm.s32 $_size__tile_overlayer_lowered;
	s7 =	simm.s32 $_tile_overlayer_lowered  }
0x9c: {  	s22 =	simm.s32 $0x1BFF;
	s21 =	sshll.u32 s7, $0x1;
	s4 =	sadd.s32 s5, s19  }
0x9d: {  	s8 =	simm.s32 $0x0;
	s20 =	sshll.u32 s6, $0x1;
	s6 =	sadd.s32 s21, s4  }
0x9e: {  	[timem:s8], [sflag:s22] =	dma.local [hbm:s6], s20  }
0x9f: {  	_ =	swait.ge [sflag:s22], s20  }
0xa0: {  	s5 =	ssub.s32 $0x0, s20;
	[sflag:s22] =	ssyncset.done $0x0  }
0xa1: {  	[sflag:s22] =	ssyncadd.s32 s5;
	_ =	sdelay $0x1  }
0xa2: {  	s23 =	simm.s32 $0x1B8B  }
0xa3: {  	_ =	swait.ge [sflag:s23], $0x1  }
0xa4: {  	[sflag:s23] =	ssyncset.done $0x0  }
0xa5: {  	s25 =	simm.s32 $0x1B8E;
	s24 =	sld [smem:$0x3FFE];
	[sflag:s23] =	ssyncadd.s32 $0xFFFFFFFF  }
0xa6: {  	s26 =	simm.s32 $execute0_lowered;
	[smem:$0x3FD2] =	sst s25  }
0xa7: {  	s6 =	sshll.u32 s26, $0x1;
	_ =	strace $0x80000046;
	[dreg:$0x1] =	wrdreg $0xFFFFFFFF  }
0xa8: {  	s28 =	simm.s32 $_size_execute0_lowered;
	s4 =	sadd.s32 s4, s6;
	[dreg:$0x0] =	wrdreg $0x0  }
0xa9: {  	s6 =	sshll.u32 s28, $0x1;
	[dreg:$0x2] =	wrdreg s4  }
0xaa: {  	[dreg:$0x3] =	wrdreg s6  }
0xab: {  	[dreg:$0x4] =	wrdreg $0xC0  }
0xac: {  	_ =	task [dreg:s8], $0x5FFFF  }
0xad: {  	[dreg:$0x1] =	wrdreg $0xFFFFFFFF  }
0xae: {  	[dreg:$0x0] =	wrdreg $0x60  }
0xaf: {  	[dreg:$0x2] =	wrdreg s2  }
0xb0: {  	[dreg:$0x3] =	wrdreg s24  }
0xb1: {  	[dreg:$0x4] =	wrdreg s18  }
0xb2: {  	[dreg:$0x5] =	wrdreg $0x9  }
0xb3: {  	_ =	task.clear_ibuf [dreg:s8], $0x6FFFF;
	_ =	strace $0x90000046  }
0xb4: {  	s29 =	simm.s32 $0x9;
	_ =	strace $0x80000048  }
0xb5: {  	_ =	swait.ge [sflag:s29], $0x1  }
0xb6: {  	[sflag:s29] =	ssyncadd.s32 $0xFFFFFFFF  }
0xb7: {  	_ =	strace $0x90000048  }
0xb8: {  	_ =	sfence  }
0xb9: {  	s30 =	sld [smem:$0x0];
	_ =	sdelay $0x2  }
0xba: {  	s31 =	sshll.u32 s1, $0xD;
	s1 =	sshrl.u32 s1, $0x2  }
0xbb: {  	s3 =	sand.u32 $0x4000, s31;
	s1 =	sadd.s32 s1, s30  }
0xbc: {  	s0 =	sor.u32 s3, s0;
	s1 =	sshll.u32 s1, $0x11  }
0xbd: {  	s0 =	sor.u32 s1, s0  }
0xbe: {  	s0 =	sadd.s32 $0x8F2B, s0  }
0xbf: {  	[sflag:s0] =	ssyncadd.remote.s32 $0x1  }
0xc0: {  	_ =	sfence.sel $0xFFFF  }
0xc1: {  	[dreg:$0x0] =	wrdreg $0xFFFFFFFF;
	(pc) =	sbr.abs _section_cstart, $3  }
0xc2: {  	[dreg:$0x1] =	wrdreg $0xFFFFFFFF  }
0xc3: {  	_ =	task.clear_ibuf [dreg:s8], $0x2FFFF;
	_ =	strace $0x9FFFFFFF  }
0xc4: {  	(tm) =	ssettm $0x7FFFFFFF  }
0xc5: {  	_ =	shalt  }
tec
execute0_lowered:
.L_overlay_start_1:
0x0: {  	(tag) =	ssettag $0x1  }
0x1: {  	s1 =	rddreg [dreg:$0x0]  }
0x2: {  	s4 =	rddreg [dreg:$0x1];
	s2 =	srdreg.scid  }
0x3: {  	s0 =	stileid.u32;
	s6 =	rddreg [dreg:$0x2]  }
0x4: {  	s3 =	simm.s32 $0x0;
	s11 =	simm.s32 $0x1680;
	s12 =	simm.s32 $0x1E80  }
0x5: {  	s13 =	simm.s32 $0x2680;
	s14 =	simm.s32 $0x2E80;
	s15 =	simm.s32 $0x3680  }
0x6: {  	s16 =	simm.s32 $0x3E80;
	s17 =	simm.s32 $0x4680;
	s18 =	simm.s32 $0x4E80  }
0x7: {  	s19 =	simm.s32 $0x5680;
	s20 =	simm.s32 $0x5E80;
	s21 =	simm.s32 $0x6680  }
0x8: {  	s22 =	simm.s32 $0x6E80;
	s23 =	simm.s32 $0x7680;
	s24 =	simm.s32 $0x7E80  }
0x9: {  	s25 =	simm.s32 $0x1;
	s26 =	simm.s32 $0x0;
	s5 =	sand.u32 $0x1, s2  }
0xa: {  	s7 =	sshll.u32 s0, $0x1;
	s2 =	rddreg [dreg:$0x3];
	s10 =	smul.u32 $0x32000, s0  }
0xb: {  	[smem:$0x7FF] =	sst s3;
	s7 =	sor.u32 s5, s7;
	s30 =	smul.u32 $0x19000, s5  }
0xc: {  	_ =	strace $0x80000047;
	s8 =	ssub.s32 $0x2, s5;
	s7 =	smul.u32 $0x640, s7  }
0xd: {  	s5 =	sadd.s32 $0x100, s1;
	s9 =	sshrl.u32 s8, $0x1;
	s31 =	sadd.s32 s10, s6  }
0xe: {  	v2 =	vlaneseq.u32;
	s10 =	simm.s32 $0xE80;
	s29 =	ssub.s32 s8, s9;
	s7 =	sshrl.u32 s7, $0x3  }
0xf: {  	vm0 =	vmmov $0xffff;
	v1 =	vshrl.u32 v2, $0x3;
	s8 =	simm.s32 $0x2;
	s9 =	simm.s32 $0x680;
	s4 =	sadd.s32 s7, s4  }
0x10: {  	v0 =	vand.u32 $0x7, v2;
	v2 =	vor.u32 $0x8, v2;
	v1 =	vmul.u32 $0x8, v1;
	s6 =	smax.u32 s29, $0x1;
	s7 =	sadd.s32 s30, s31;
	s4 =	sadd.s32 $0x8A00, s4  }
.LBB2_1:
0x11: {  	[tilespmem:s3], [sflag:$0x2] =	stream.linear.gather [hbm4b:s4+s3], $0x640, $0x38;
	[tilespmem:$0x8680] =	vst v63  }
0x12: {  	_ =	swait.ge [sflag:s8], $0x640  }
0x13: {  	[sflag:s8] =	ssyncset.done $0x0  }
0x14: {  	s28 =	simm.s32 $0x20;
	s29 =	simm.s32 $0x0;
	[sflag:s8] =	ssyncadd.s32 $0xFFFFF9C0  }
.LBB2_2:
0x15: {  	v3 =	vld [tilespmem:s28+$0xFFFFFFE0];
	_ =	sdelay $0x4  }
0x16: {  	v4 =	vshll.u32 v3, $0x2  }
0x17: {  	v3 =	vand.u32 $0x7, v3;
	v4 =	vand.u32 $0xFFFFFFE0, v4  }
0x18: {  	v3 =	vor.u32 v3, v4  }
0x19: {  	v4 =	vperm.xlane v3, v0;
	_ =	sdelay $0x1  }
0x1a: {  	v4 =	vadd.s32 v1, v4;
	_ =	sdelay $0x1  }
0x1b: {  	v3 =	vperm.xlane v3, v2;
	_ =	sdelay $0x1  }
0x1c: {  	v3 =	vadd.s32 v1, v3  }
0x1d: {  	[tilespmem:s9], [sflag:$0x1] =	stream.indirect_vreg.gather [hbm4b:s1+s3], $0x80, v4, vm0, $0xb8;
	[tilespmem:$0x8680] =	vst v63  }
0x1e: {  	_ = 	snop  }
0x1f: {  	[tilespmem:s10], [sflag:$0x1] =	stream.indirect_vreg.gather [hbm4b:s5+s3], $0x80, v4, vm0, $0xb8;
	[tilespmem:$0x8680] =	vst v63  }
0x20: {  	_ = 	snop  }
0x21: {  	[tilespmem:s11], [sflag:$0x1] =	stream.indirect_vreg.gather [hbm4b:s1+s3], $0x80, v3, vm0, $0xb8;
	[tilespmem:$0x8680] =	vst v63  }
0x22: {  	_ = 	snop  }
0x23: {  	[tilespmem:s12], [sflag:$0x1] =	stream.indirect_vreg.gather [hbm4b:s5+s3], $0x80, v3, vm0, $0xb8;
	[tilespmem:$0x8680] =	vst v63  }
0x24: {  	v3 =	vld [tilespmem:s28+$0xFFFFFFF0];
	_ =	sdelay $0x4  }
0x25: {  	v61 =	vshll.u32 v3, $0x2  }
0x26: {  	v3 =	vand.u32 $0x7, v3;
	v4 =	vand.u32 $0xFFFFFFE0, v61  }
0x27: {  	v3 =	vor.u32 v3, v4  }
0x28: {  	v4 =	vperm.xlane v3, v0;
	_ =	sdelay $0x1  }
0x29: {  	v4 =	vadd.s32 v1, v4;
	_ =	sdelay $0x1  }
0x2a: {  	v3 =	vperm.xlane v3, v2;
	_ =	sdelay $0x1  }
0x2b: {  	v3 =	vadd.s32 v1, v3  }
0x2c: {  	[tilespmem:s13], [sflag:$0x1] =	stream.indirect_vreg.gather [hbm4b:s1+s3], $0x80, v4, vm0, $0xb8;
	[tilespmem:$0x8680] =	vst v63  }
0x2d: {  	_ = 	snop  }
0x2e: {  	[tilespmem:s14], [sflag:$0x1] =	stream.indirect_vreg.gather [hbm4b:s5+s3], $0x80, v4, vm0, $0xb8;
	[tilespmem:$0x8680] =	vst v63  }
0x2f: {  	_ = 	snop  }
0x30: {  	[tilespmem:s15], [sflag:$0x1] =	stream.indirect_vreg.gather [hbm4b:s1+s3], $0x80, v3, vm0, $0xb8;
	[tilespmem:$0x8680] =	vst v63  }
0x31: {  	_ = 	snop  }
0x32: {  	[tilespmem:s16], [sflag:$0x1] =	stream.indirect_vreg.gather [hbm4b:s5+s3], $0x80, v3, vm0, $0xb8;
	[tilespmem:$0x8680] =	vst v63  }
0x33: {  	v3 =	vld [tilespmem:s28+$0x0];
	_ =	sdelay $0x4  }
0x34: {  	v62 =	vshll.u32 v3, $0x2  }
0x35: {  	v3 =	vand.u32 $0x7, v3;
	v4 =	vand.u32 $0xFFFFFFE0, v62  }
0x36: {  	v3 =	vor.u32 v3, v4  }
0x37: {  	v4 =	vperm.xlane v3, v0;
	_ =	sdelay $0x1  }
0x38: {  	v4 =	vadd.s32 v1, v4;
	_ =	sdelay $0x1  }
0x39: {  	v3 =	vperm.xlane v3, v2;
	_ =	sdelay $0x1  }
0x3a: {  	v3 =	vadd.s32 v1, v3  }
0x3b: {  	[tilespmem:s17], [sflag:$0x1] =	stream.indirect_vreg.gather [hbm4b:s1+s3], $0x80, v4, vm0, $0xb8;
	[tilespmem:$0x8680] =	vst v63  }
0x3c: {  	_ = 	snop  }
0x3d: {  	[tilespmem:s18], [sflag:$0x1] =	stream.indirect_vreg.gather [hbm4b:s5+s3], $0x80, v4, vm0, $0xb8;
	[tilespmem:$0x8680] =	vst v63  }
0x3e: {  	_ = 	snop  }
0x3f: {  	[tilespmem:s19], [sflag:$0x1] =	stream.indirect_vreg.gather [hbm4b:s1+s3], $0x80, v3, vm0, $0xb8;
	[tilespmem:$0x8680] =	vst v63  }
0x40: {  	_ = 	snop  }
0x41: {  	[tilespmem:s20], [sflag:$0x1] =	stream.indirect_vreg.gather [hbm4b:s5+s3], $0x80, v3, vm0, $0xb8;
	[tilespmem:$0x8680] =	vst v63  }
0x42: {  	v3 =	vld [tilespmem:s28+$0x10];
	_ =	sdelay $0x4  }
0x43: {  	v63 =	vshll.u32 v3, $0x2  }
0x44: {  	v3 =	vand.u32 $0x7, v3;
	v4 =	vand.u32 $0xFFFFFFE0, v63  }
0x45: {  	v3 =	vor.u32 v3, v4  }
0x46: {  	v4 =	vperm.xlane v3, v0;
	_ =	sdelay $0x1  }
0x47: {  	v4 =	vadd.s32 v1, v4;
	_ =	sdelay $0x1  }
0x48: {  	v3 =	vperm.xlane v3, v2;
	_ =	sdelay $0x1  }
0x49: {  	v3 =	vadd.s32 v1, v3  }
0x4a: {  	[tilespmem:s21], [sflag:$0x1] =	stream.indirect_vreg.gather [hbm4b:s1+s3], $0x80, v4, vm0, $0xb8;
	[tilespmem:$0x8680] =	vst v63  }
0x4b: {  	_ = 	snop  }
0x4c: {  	[tilespmem:s22], [sflag:$0x1] =	stream.indirect_vreg.gather [hbm4b:s5+s3], $0x80, v4, vm0, $0xb8;
	[tilespmem:$0x8680] =	vst v63  }
0x4d: {  	_ = 	snop  }
0x4e: {  	[tilespmem:s23], [sflag:$0x1] =	stream.indirect_vreg.gather [hbm4b:s1+s3], $0x80, v3, vm0, $0xb8;
	[tilespmem:$0x8680] =	vst v63  }
0x4f: {  	_ = 	snop  }
0x50: {  	[tilespmem:s24], [sflag:$0x1] =	stream.indirect_vreg.gather [hbm4b:s5+s3], $0x80, v3, vm0, $0xb8;
	[tilespmem:$0x8680] =	vst v63  }
0x51: {  	_ =	swait.ge [sflag:s25], $0x8000  }
0x52: {  	p0 =	sne.s32 s29, $0x18000;
	[sflag:s25] =	ssyncset.done $0x0  }
.Ltmp0:
0x53: {  	s30 =	sadd.s32 s29, s7;
	[sflag:s25] =	ssyncadd.s32 $0xFFFF8000;
	(pc) =	sbr.rel @p0 .LBB2_2-.Ltmp0, $4  }
0x54: {  	[hbm4b:s30+s3] =	stream.linear.scatter [tilespmem:s9], [sflag:$0x2], $0x8000, $0x38;
	[tilespmem:$0x8680] =	vst v63  }
0x55: {  	_ =	swait.ge [sflag:s8], $0x8000  }
0x56: {  	[sflag:s8] =	ssyncset.done $0x0  }
0x57: {  	s29 =	sadd.s32 $0x1000, s29;
	s28 =	sadd.s32 $0x40, s28;
	[sflag:s8] =	ssyncadd.s32 $0xFFFF8000  }
0x58: {  	s26 =	sadd.s32 $0x1, s26  }
0x59: {  	p0 =	sne.s32 s26, s6  }
.Ltmp1:
0x5a: {  	_ = 	snop;
	(pc) =	sbr.rel @p0 .LBB2_1-.Ltmp1, $1  }
0x5b: {  	_ =	sdelay $0x3  }
0x5c: {  	_ =	sfence.sel $0x180000  }
0x5d: {  	[bflag:$0x0] =	sbarrier.arrive $0xFFFF  }
0x5e: {  	p0 =	sne.s32 s0, $0x0;
	_ =	strace $0x90000047  }
0x5f: {  	s0 =	sadd.s32 @!p0 $0x100000, s2;
	[bflag:$0x2] =	sbarrier.arrive $0xFFFF  }
0x60: {  	[sflag:s0] =	ssyncadd.tile.s32 @!p0 $0x1;
	_ =	shalt  }
.Lfunc_end2:
_tile_overlayer_lowered:
.L_overlay_start_2:
0x61: {  	(tag) =	ssettag $0x2  }
0x62: {  	s0 =	rddreg [dreg:$0x0];
	s2 =	stileid.u32  }
0x63: {  	s1 =	rddreg [dreg:$0x1];
	p0 =	sne.s32 s2, $0x0  }
0x64: {  	s3 =	rddreg [dreg:$0x2];
	[bflag:$0x3] =	sbarrier.arrive $0xFFFF;
	s2 =	simm.s32 @!p0 $0x1C02  }
0x65: {  	[timem:s3], [sflag:s2] =	dma.local @!p0 [hbm:s0], s1  }
0x66: {  	s0 =	simm.s32 @!p0 $0x2  }
0x67: {  	_ =	swait.ge @!p0 [sflag:s0], s1  }
0x68: {  	s1 =	ssub.s32 @!p0 $0x0, s1;
	[sflag:s0] =	ssyncset.done @!p0 $0x0  }
0x69: {  	[sflag:s0] =	ssyncadd.s32 @!p0 s1  }
0x6a: {  	[bflag:$0x3] =	sbarrier.arrive $0xFFFF  }
0x6b: {  	_ =	shalt  }

</sc_bundles>
